<compile_context>
chip_gen: v7x
topology: tpu7x:2x2x1
jax: 0.10.2.dev20260603
libtpu: 0.0.44.dev20260713+nightly
codegen_flags: <defaults>
</compile_context>

<pallas_src>
import functools

import jax
import jax.numpy as jnp
from jax import lax
from jax.experimental import pallas as pl
from jax.experimental.pallas import tpu as pltpu
from jax.experimental.pallas import tpu_sc as plsc

_TOP_K = 2
_E = 64
_H = 2048


def _matmul_body(chunk, x_ref, w_ref, out_ref):
    res = lax.dot_general(
        w_ref[...],
        x_ref[...],
        (((1,), (1,)), ((), ())),
        preferred_element_type=jnp.float32,
    )
    cpb = out_ref.shape[0]
    for c in range(cpb):
        out_ref[c] = res[:, c * chunk:(c + 1) * chunk]


def _logits_blocked(x, w, bm, chunk, nw):
    rows = x.shape[0]
    cpb = bm // chunk
    return pl.pallas_call(
        functools.partial(_matmul_body, chunk),
        grid=(rows // bm,),
        in_specs=[
            pl.BlockSpec((bm, _H), lambda i: (i, 0)),
            pl.BlockSpec((_E, _H), lambda i: (0, 0)),
        ],
        out_specs=pl.BlockSpec((cpb, _E, chunk), lambda i: (i, 0, 0)),
        out_shape=jax.ShapeDtypeStruct((nw, _E, chunk), jnp.float32),
    )(x, w)


def _make_router(t):
    info = plsc.get_sparse_core_info()
    nc, ns, lanes = info.num_cores, info.num_subcores, info.num_lanes
    nw = nc * ns
    chunk = t // nw
    ngroups = chunk // lanes
    mesh = plsc.VectorSubcoreMesh(core_axis_name="c", subcore_axis_name="s")

    @functools.partial(
        pl.kernel,
        out_type=(
            jax.ShapeDtypeStruct((_TOP_K, t), jnp.int32),
            jax.ShapeDtypeStruct((_TOP_K, t), jnp.float32),
        ),
        mesh=mesh,
        scratch_types=[
            pltpu.VMEM((_E, chunk), jnp.float32),
            pltpu.VMEM((_TOP_K, chunk), jnp.int32),
            pltpu.VMEM((_TOP_K, chunk), jnp.float32),
        ],
    )
    def router(logits_hbm, idx_hbm, w_hbm, buf, idx_v, w_v):
        wid = lax.axis_index("s") * nc + lax.axis_index("c")
        base = wid * chunk
        pltpu.sync_copy(logits_hbm.at[wid], buf)

        def group(g, carry):
            neg = jnp.full((lanes,), -jnp.inf, jnp.float32)
            zero_i = jnp.zeros((lanes,), jnp.int32)

            def expert(e, c):
                m1, i1, m2, i2 = c
                v = buf[e, pl.ds(g * lanes, lanes)]
                e_vec = jnp.broadcast_to(e, (lanes,)).astype(jnp.int32)
                gt1 = v > m1
                gt2 = v > m2
                m2n = jnp.where(gt1, m1, jnp.where(gt2, v, m2))
                i2n = jnp.where(gt1, i1, jnp.where(gt2, e_vec, i2))
                m1n = jnp.where(gt1, v, m1)
                i1n = jnp.where(gt1, e_vec, i1)
                return m1n, i1n, m2n, i2n

            m1, i1, m2, i2 = lax.fori_loop(
                0, _E, expert, (neg, zero_i, neg, zero_i), unroll=8
            )
            d = jnp.exp(m2 - m1)
            w1 = 1.0 / (1.0 + d)
            w2 = 1.0 - w1
            sl = pl.ds(g * lanes, lanes)
            idx_v[0, sl] = i1
            idx_v[1, sl] = i2
            w_v[0, sl] = w1
            w_v[1, sl] = w2
            return carry

        lax.fori_loop(0, ngroups, group, 0)
        pltpu.sync_copy(idx_v, idx_hbm.at[:, pl.ds(base, chunk)])
        pltpu.sync_copy(w_v, w_hbm.at[:, pl.ds(base, chunk)])

    return router


def kernel(hidden_states, weight):
    bsz, seq_len, h = hidden_states.shape
    x = hidden_states.reshape(-1, h)
    t = x.shape[0]
    info = plsc.get_sparse_core_info()
    nw = info.num_cores * info.num_subcores
    logits_b = _logits_blocked(x, weight, 1024, t // nw, nw)
    idx, wts = _make_router(t)(logits_b)
    return (idx.T.reshape(bsz, seq_len, _TOP_K),
            wts.T.reshape(bsz, seq_len, _TOP_K))

# --- scband reference (transcript-rebuilt; emitter-appended) ---
"""Pipeline reference for scband-mo-egate-1297080124195 (READ-ONLY COPY).

The authoritative reference and input builder live on the scoring server;
editing this copy changes nothing except your own understanding.
"""

import jax, jax.numpy as jnp
import numpy as np

TOP_K = 2
N_EXPERTS = 64
HIDDEN = 2048
NORM_TOPK = True

def setup_inputs(seed: int = 0):
    key = jax.random.key(seed)
    k1, k2 = jax.random.split(key)
    hidden_states = jax.random.normal(k1, (4, 4096, HIDDEN), dtype=jnp.float32)
    # kaiming_uniform_(a=sqrt(5)) on weight[E, H] -> U(-1/sqrt(H), 1/sqrt(H))
    bound = 1.0 / np.sqrt(HIDDEN)
    weight = jax.random.uniform(k2, (N_EXPERTS, HIDDEN), dtype=jnp.float32, minval=-bound, maxval=bound)
    return {"hidden_states": hidden_states, "weight": weight}

def reference(hidden_states, weight):
    bsz, seq_len, h = hidden_states.shape
    x = hidden_states.reshape(-1, h)
    logits = x @ weight.T  # F.linear(x, weight)
    scores = jax.nn.softmax(logits, axis=-1)
    topk_weight, topk_idx = jax.lax.top_k(scores, TOP_K)
    if TOP_K > 1 and NORM_TOPK:
        topk_weight = topk_weight / (jnp.sum(topk_weight, axis=-1, keepdims=True) + 1e-20)
    return (topk_idx.reshape(bsz, seq_len, -1), topk_weight.reshape(bsz, seq_len, -1))

if __name__ == "__main__":
    import jax
    _d = setup_inputs()
    print(jax.jit(kernel)(*tuple(_d.values())))

</pallas_src>

<mosaic_0001>
#map = affine_map<(d0, d1) -> (0, 0, 0)>
#map1 = affine_map<(d0, d1) -> (0, 0)>
module attributes {stable_mosaic.version = 14 : i64} {
  func.func @router(%arg0: i32, %arg1: i32, %arg2: memref<32x64x512xf32, #tpu.memory_space<hbm>>, %arg3: memref<2x16384xi32, #tpu.memory_space<hbm>>, %arg4: memref<2x16384xf32, #tpu.memory_space<hbm>>, %arg5: memref<64x512xf32, #tpu.memory_space<vmem>>, %arg6: memref<2x512xi32, #tpu.memory_space<vmem>>, %arg7: memref<2x512xf32, #tpu.memory_space<vmem>>) attributes {dimension_semantics = [#tpu.dimension_semantics<core_parallel>, #tpu.dimension_semantics<subcore_parallel>], iteration_bounds = array<i64: 2, 16>, scalar_prefetch = 0 : i64, scratch_operands = 3 : i64, tpu.core_type = #tpu.core_type<sc_vector_subcore>, window_params = [{transform_indices = #map}, {transform_indices = #map1}, {transform_indices = #map1}]} {
    %mul3A = arith.constant 2 : i32
    %mul3A_0 = arith.muli %arg1, %mul3A : i32
    %add3A = arith.addi %mul3A_0, %arg0 : i32
    %mul3A_1 = arith.constant 512 : i32
    %mul3A_2 = arith.muli %add3A, %mul3A_1 : i32
    "tpu.region"() ({
      %run_scoped3A = tpu.sem_alloc : memref<!tpu.dma_semaphore, #tpu.memory_space<semaphore_mem>>
      %dma_start3A = arith.constant 0 : i32
      %dma_start3A_8 = arith.constant 0 : i32
      %dma_start3A_9 = tpu.memref_slice %arg2[%add3A, %dma_start3A, %dma_start3A_8] : memref<32x64x512xf32, #tpu.memory_space<hbm>> -> memref<1x64x512xf32, #tpu.memory_space<hbm>>
      %dma_start3A_10 = tpu.memref_squeeze %dma_start3A_9 : memref<1x64x512xf32, #tpu.memory_space<hbm>> -> memref<64x512xf32, #tpu.memory_space<hbm>>
      %dma_start3A_11 = arith.constant 0 : i32
      %dma_start3A_12 = arith.constant 0 : i32
      %dma_start3A_13 = tpu.memref_slice %arg2[%add3A, %dma_start3A_11, %dma_start3A_12] : memref<32x64x512xf32, #tpu.memory_space<hbm>> -> memref<1x64x512xf32, #tpu.memory_space<hbm>>
      %dma_start3A_14 = tpu.memref_squeeze %dma_start3A_13 : memref<1x64x512xf32, #tpu.memory_space<hbm>> -> memref<64x512xf32, #tpu.memory_space<hbm>>
      tpu.enqueue_dma source(%dma_start3A_14 : memref<64x512xf32, #tpu.memory_space<hbm>>) target(%arg5 : memref<64x512xf32, #tpu.memory_space<vmem>>) target_semaphore(%run_scoped3A : memref<!tpu.dma_semaphore, #tpu.memory_space<semaphore_mem>>)
      %dma_wait3A = arith.constant 0 : i32
      %dma_wait3A_15 = arith.constant 0 : i32
      %dma_wait3A_16 = tpu.memref_slice %arg2[%add3A, %dma_wait3A, %dma_wait3A_15] : memref<32x64x512xf32, #tpu.memory_space<hbm>> -> memref<1x64x512xf32, #tpu.memory_space<hbm>>
      %dma_wait3A_17 = tpu.memref_squeeze %dma_wait3A_16 : memref<1x64x512xf32, #tpu.memory_space<hbm>> -> memref<64x512xf32, #tpu.memory_space<hbm>>
      %dma_wait3A_18 = arith.constant 0 : i32
      %dma_wait3A_19 = arith.constant 0 : i32
      %dma_wait3A_20 = tpu.memref_slice %arg2[%add3A, %dma_wait3A_18, %dma_wait3A_19] : memref<32x64x512xf32, #tpu.memory_space<hbm>> -> memref<1x64x512xf32, #tpu.memory_space<hbm>>
      %dma_wait3A_21 = tpu.memref_squeeze %dma_wait3A_20 : memref<1x64x512xf32, #tpu.memory_space<hbm>> -> memref<64x512xf32, #tpu.memory_space<hbm>>
      tpu.wait_dma2 semaphore(%run_scoped3A : memref<!tpu.dma_semaphore, #tpu.memory_space<semaphore_mem>>) src(%dma_wait3A_21 : memref<64x512xf32, #tpu.memory_space<hbm>>) dst(%arg5 : memref<64x512xf32, #tpu.memory_space<vmem>>)
      tpu.yield
    }) : () -> ()
    %scan3A = arith.constant 0 : i32
    %scan3A_3 = arith.constant 0 : i32
    %scan3A_4 = arith.constant 32 : i32
    %scan3A_5 = arith.addi %scan3A_3, %scan3A_4 : i32
    %scan3A_6 = arith.constant 1 : i32
    scf.for %scan3A_8 = %scan3A_3 to %scan3A_5 step %scan3A_6  : i32 {
      %broadcast_in_dim3A = arith.constant 0xFF800000 : f32
      %broadcast_in_dim3A_9 = vector.broadcast %broadcast_in_dim3A : f32 to vector<16xf32>
      %broadcast_in_dim3A_10 = arith.constant 0 : i32
      %broadcast_in_dim3A_11 = vector.broadcast %broadcast_in_dim3A_10 : i32 to vector<16xi32>
      %scan3A_12 = arith.constant 0 : i32
      %scan3A_13 = arith.constant 64 : i32
      %scan3A_14 = arith.addi %scan3A_12, %scan3A_13 : i32
      %scan3A_15 = arith.constant 8 : i32
      %scan3A_16:4 = scf.for %scan3A_51 = %scan3A_12 to %scan3A_14 step %scan3A_15 iter_args(%scan3A_52 = %broadcast_in_dim3A_9, %scan3A_53 = %broadcast_in_dim3A_11, %scan3A_54 = %broadcast_in_dim3A_9, %scan3A_55 = %broadcast_in_dim3A_11) -> (vector<16xf32>, vector<16xi32>, vector<16xf32>, vector<16xi32>)  : i32 {
        %mul3A_56 = arith.constant 16 : i32
        %mul3A_57 = arith.muli %scan3A_8, %mul3A_56 : i32
        %get3A = arith.index_cast %scan3A_51 : i32 to index
        %get3A_58 = arith.index_cast %mul3A_57 : i32 to index
        %get3A_59 = tpu.vector_load %arg5[%get3A, %get3A_58] {strides = array<i32>} : memref<64x512xf32, #tpu.memory_space<vmem>>, vector<1x16xf32>,
        %get3A_60 = vector.shape_cast %get3A_59 : vector<1x16xf32> to vector<16xf32>
        %broadcast_in_dim3A_61 = vector.broadcast %scan3A_51 : i32 to vector<16xi32>
        %gt3A = arith.cmpf ogt, %get3A_60, %scan3A_52 : vector<16xf32>
        %gt3A_62 = arith.cmpf ogt, %get3A_60, %scan3A_54 : vector<16xf32>
        %select_n3A = arith.select %gt3A_62, %get3A_60, %scan3A_54 : vector<16xi1>, vector<16xf32>
        %select_n3A_63 = arith.select %gt3A, %scan3A_52, %select_n3A : vector<16xi1>, vector<16xf32>
        %select_n3A_64 = arith.select %gt3A_62, %broadcast_in_dim3A_61, %scan3A_55 : vector<16xi1>, vector<16xi32>
        %select_n3A_65 = arith.select %gt3A, %scan3A_53, %select_n3A_64 : vector<16xi1>, vector<16xi32>
        %select_n3A_66 = arith.select %gt3A, %get3A_60, %scan3A_52 : vector<16xi1>, vector<16xf32>
        %select_n3A_67 = arith.select %gt3A, %broadcast_in_dim3A_61, %scan3A_53 : vector<16xi1>, vector<16xi32>
        %scan3A_68 = arith.constant 1 : i32
        %scan3A_69 = arith.addi %scan3A_51, %scan3A_68 : i32
        %mul3A_70 = arith.constant 16 : i32
        %mul3A_71 = arith.muli %scan3A_8, %mul3A_70 : i32
        %get3A_72 = arith.index_cast %scan3A_69 : i32 to index
        %get3A_73 = arith.index_cast %mul3A_71 : i32 to index
        %get3A_74 = tpu.vector_load %arg5[%get3A_72, %get3A_73] {strides = array<i32>} : memref<64x512xf32, #tpu.memory_space<vmem>>, vector<1x16xf32>,
        %get3A_75 = vector.shape_cast %get3A_74 : vector<1x16xf32> to vector<16xf32>
        %broadcast_in_dim3A_76 = vector.broadcast %scan3A_69 : i32 to vector<16xi32>
        %gt3A_77 = arith.cmpf ogt, %get3A_75, %select_n3A_66 : vector<16xf32>
        %gt3A_78 = arith.cmpf ogt, %get3A_75, %select_n3A_63 : vector<16xf32>
        %select_n3A_79 = arith.select %gt3A_78, %get3A_75, %select_n3A_63 : vector<16xi1>, vector<16xf32>
        %select_n3A_80 = arith.select %gt3A_77, %select_n3A_66, %select_n3A_79 : vector<16xi1>, vector<16xf32>
        %select_n3A_81 = arith.select %gt3A_78, %broadcast_in_dim3A_76, %select_n3A_65 : vector<16xi1>, vector<16xi32>
        %select_n3A_82 = arith.select %gt3A_77, %select_n3A_67, %select_n3A_81 : vector<16xi1>, vector<16xi32>
        %select_n3A_83 = arith.select %gt3A_77, %get3A_75, %select_n3A_66 : vector<16xi1>, vector<16xf32>
        %select_n3A_84 = arith.select %gt3A_77, %broadcast_in_dim3A_76, %select_n3A_67 : vector<16xi1>, vector<16xi32>
        %scan3A_85 = arith.constant 2 : i32
        %scan3A_86 = arith.addi %scan3A_51, %scan3A_85 : i32
        %mul3A_87 = arith.constant 16 : i32
        %mul3A_88 = arith.muli %scan3A_8, %mul3A_87 : i32
        %get3A_89 = arith.index_cast %scan3A_86 : i32 to index
        %get3A_90 = arith.index_cast %mul3A_88 : i32 to index
        %get3A_91 = tpu.vector_load %arg5[%get3A_89, %get3A_90] {strides = array<i32>} : memref<64x512xf32, #tpu.memory_space<vmem>>, vector<1x16xf32>,
        %get3A_92 = vector.shape_cast %get3A_91 : vector<1x16xf32> to vector<16xf32>
        %broadcast_in_dim3A_93 = vector.broadcast %scan3A_86 : i32 to vector<16xi32>
        %gt3A_94 = arith.cmpf ogt, %get3A_92, %select_n3A_83 : vector<16xf32>
        %gt3A_95 = arith.cmpf ogt, %get3A_92, %select_n3A_80 : vector<16xf32>
        %select_n3A_96 = arith.select %gt3A_95, %get3A_92, %select_n3A_80 : vector<16xi1>, vector<16xf32>
        %select_n3A_97 = arith.select %gt3A_94, %select_n3A_83, %select_n3A_96 : vector<16xi1>, vector<16xf32>
        %select_n3A_98 = arith.select %gt3A_95, %broadcast_in_dim3A_93, %select_n3A_82 : vector<16xi1>, vector<16xi32>
        %select_n3A_99 = arith.select %gt3A_94, %select_n3A_84, %select_n3A_98 : vector<16xi1>, vector<16xi32>
        %select_n3A_100 = arith.select %gt3A_94, %get3A_92, %select_n3A_83 : vector<16xi1>, vector<16xf32>
        %select_n3A_101 = arith.select %gt3A_94, %broadcast_in_dim3A_93, %select_n3A_84 : vector<16xi1>, vector<16xi32>
        %scan3A_102 = arith.constant 3 : i32
        %scan3A_103 = arith.addi %scan3A_51, %scan3A_102 : i32
        %mul3A_104 = arith.constant 16 : i32
        %mul3A_105 = arith.muli %scan3A_8, %mul3A_104 : i32
        %get3A_106 = arith.index_cast %scan3A_103 : i32 to index
        %get3A_107 = arith.index_cast %mul3A_105 : i32 to index
        %get3A_108 = tpu.vector_load %arg5[%get3A_106, %get3A_107] {strides = array<i32>} : memref<64x512xf32, #tpu.memory_space<vmem>>, vector<1x16xf32>,
        %get3A_109 = vector.shape_cast %get3A_108 : vector<1x16xf32> to vector<16xf32>
        %broadcast_in_dim3A_110 = vector.broadcast %scan3A_103 : i32 to vector<16xi32>
        %gt3A_111 = arith.cmpf ogt, %get3A_109, %select_n3A_100 : vector<16xf32>
        %gt3A_112 = arith.cmpf ogt, %get3A_109, %select_n3A_97 : vector<16xf32>
        %select_n3A_113 = arith.select %gt3A_112, %get3A_109, %select_n3A_97 : vector<16xi1>, vector<16xf32>
        %select_n3A_114 = arith.select %gt3A_111, %select_n3A_100, %select_n3A_113 : vector<16xi1>, vector<16xf32>
        %select_n3A_115 = arith.select %gt3A_112, %broadcast_in_dim3A_110, %select_n3A_99 : vector<16xi1>, vector<16xi32>
        %select_n3A_116 = arith.select %gt3A_111, %select_n3A_101, %select_n3A_115 : vector<16xi1>, vector<16xi32>
        %select_n3A_117 = arith.select %gt3A_111, %get3A_109, %select_n3A_100 : vector<16xi1>, vector<16xf32>
        %select_n3A_118 = arith.select %gt3A_111, %broadcast_in_dim3A_110, %select_n3A_101 : vector<16xi1>, vector<16xi32>
        %scan3A_119 = arith.constant 4 : i32
        %scan3A_120 = arith.addi %scan3A_51, %scan3A_119 : i32
        %mul3A_121 = arith.constant 16 : i32
        %mul3A_122 = arith.muli %scan3A_8, %mul3A_121 : i32
        %get3A_123 = arith.index_cast %scan3A_120 : i32 to index
        %get3A_124 = arith.index_cast %mul3A_122 : i32 to index
        %get3A_125 = tpu.vector_load %arg5[%get3A_123, %get3A_124] {strides = array<i32>} : memref<64x512xf32, #tpu.memory_space<vmem>>, vector<1x16xf32>,
        %get3A_126 = vector.shape_cast %get3A_125 : vector<1x16xf32> to vector<16xf32>
        %broadcast_in_dim3A_127 = vector.broadcast %scan3A_120 : i32 to vector<16xi32>
        %gt3A_128 = arith.cmpf ogt, %get3A_126, %select_n3A_117 : vector<16xf32>
        %gt3A_129 = arith.cmpf ogt, %get3A_126, %select_n3A_114 : vector<16xf32>
        %select_n3A_130 = arith.select %gt3A_129, %get3A_126, %select_n3A_114 : vector<16xi1>, vector<16xf32>
        %select_n3A_131 = arith.select %gt3A_128, %select_n3A_117, %select_n3A_130 : vector<16xi1>, vector<16xf32>
        %select_n3A_132 = arith.select %gt3A_129, %broadcast_in_dim3A_127, %select_n3A_116 : vector<16xi1>, vector<16xi32>
        %select_n3A_133 = arith.select %gt3A_128, %select_n3A_118, %select_n3A_132 : vector<16xi1>, vector<16xi32>
        %select_n3A_134 = arith.select %gt3A_128, %get3A_126, %select_n3A_117 : vector<16xi1>, vector<16xf32>
        %select_n3A_135 = arith.select %gt3A_128, %broadcast_in_dim3A_127, %select_n3A_118 : vector<16xi1>, vector<16xi32>
        %scan3A_136 = arith.constant 5 : i32
        %scan3A_137 = arith.addi %scan3A_51, %scan3A_136 : i32
        %mul3A_138 = arith.constant 16 : i32
        %mul3A_139 = arith.muli %scan3A_8, %mul3A_138 : i32
        %get3A_140 = arith.index_cast %scan3A_137 : i32 to index
        %get3A_141 = arith.index_cast %mul3A_139 : i32 to index
        %get3A_142 = tpu.vector_load %arg5[%get3A_140, %get3A_141] {strides = array<i32>} : memref<64x512xf32, #tpu.memory_space<vmem>>, vector<1x16xf32>,
        %get3A_143 = vector.shape_cast %get3A_142 : vector<1x16xf32> to vector<16xf32>
        %broadcast_in_dim3A_144 = vector.broadcast %scan3A_137 : i32 to vector<16xi32>
        %gt3A_145 = arith.cmpf ogt, %get3A_143, %select_n3A_134 : vector<16xf32>
        %gt3A_146 = arith.cmpf ogt, %get3A_143, %select_n3A_131 : vector<16xf32>
        %select_n3A_147 = arith.select %gt3A_146, %get3A_143, %select_n3A_131 : vector<16xi1>, vector<16xf32>
        %select_n3A_148 = arith.select %gt3A_145, %select_n3A_134, %select_n3A_147 : vector<16xi1>, vector<16xf32>
        %select_n3A_149 = arith.select %gt3A_146, %broadcast_in_dim3A_144, %select_n3A_133 : vector<16xi1>, vector<16xi32>
        %select_n3A_150 = arith.select %gt3A_145, %select_n3A_135, %select_n3A_149 : vector<16xi1>, vector<16xi32>
        %select_n3A_151 = arith.select %gt3A_145, %get3A_143, %select_n3A_134 : vector<16xi1>, vector<16xf32>
        %select_n3A_152 = arith.select %gt3A_145, %broadcast_in_dim3A_144, %select_n3A_135 : vector<16xi1>, vector<16xi32>
        %scan3A_153 = arith.constant 6 : i32
        %scan3A_154 = arith.addi %scan3A_51, %scan3A_153 : i32
        %mul3A_155 = arith.constant 16 : i32
        %mul3A_156 = arith.muli %scan3A_8, %mul3A_155 : i32
        %get3A_157 = arith.index_cast %scan3A_154 : i32 to index
        %get3A_158 = arith.index_cast %mul3A_156 : i32 to index
        %get3A_159 = tpu.vector_load %arg5[%get3A_157, %get3A_158] {strides = array<i32>} : memref<64x512xf32, #tpu.memory_space<vmem>>, vector<1x16xf32>,
        %get3A_160 = vector.shape_cast %get3A_159 : vector<1x16xf32> to vector<16xf32>
        %broadcast_in_dim3A_161 = vector.broadcast %scan3A_154 : i32 to vector<16xi32>
        %gt3A_162 = arith.cmpf ogt, %get3A_160, %select_n3A_151 : vector<16xf32>
        %gt3A_163 = arith.cmpf ogt, %get3A_160, %select_n3A_148 : vector<16xf32>
        %select_n3A_164 = arith.select %gt3A_163, %get3A_160, %select_n3A_148 : vector<16xi1>, vector<16xf32>
        %select_n3A_165 = arith.select %gt3A_162, %select_n3A_151, %select_n3A_164 : vector<16xi1>, vector<16xf32>
        %select_n3A_166 = arith.select %gt3A_163, %broadcast_in_dim3A_161, %select_n3A_150 : vector<16xi1>, vector<16xi32>
        %select_n3A_167 = arith.select %gt3A_162, %select_n3A_152, %select_n3A_166 : vector<16xi1>, vector<16xi32>
        %select_n3A_168 = arith.select %gt3A_162, %get3A_160, %select_n3A_151 : vector<16xi1>, vector<16xf32>
        %select_n3A_169 = arith.select %gt3A_162, %broadcast_in_dim3A_161, %select_n3A_152 : vector<16xi1>, vector<16xi32>
        %scan3A_170 = arith.constant 7 : i32
        %scan3A_171 = arith.addi %scan3A_51, %scan3A_170 : i32
        %mul3A_172 = arith.constant 16 : i32
        %mul3A_173 = arith.muli %scan3A_8, %mul3A_172 : i32
        %get3A_174 = arith.index_cast %scan3A_171 : i32 to index
        %get3A_175 = arith.index_cast %mul3A_173 : i32 to index
        %get3A_176 = tpu.vector_load %arg5[%get3A_174, %get3A_175] {strides = array<i32>} : memref<64x512xf32, #tpu.memory_space<vmem>>, vector<1x16xf32>,
        %get3A_177 = vector.shape_cast %get3A_176 : vector<1x16xf32> to vector<16xf32>
        %broadcast_in_dim3A_178 = vector.broadcast %scan3A_171 : i32 to vector<16xi32>
        %gt3A_179 = arith.cmpf ogt, %get3A_177, %select_n3A_168 : vector<16xf32>
        %gt3A_180 = arith.cmpf ogt, %get3A_177, %select_n3A_165 : vector<16xf32>
        %select_n3A_181 = arith.select %gt3A_180, %get3A_177, %select_n3A_165 : vector<16xi1>, vector<16xf32>
        %select_n3A_182 = arith.select %gt3A_179, %select_n3A_168, %select_n3A_181 : vector<16xi1>, vector<16xf32>
        %select_n3A_183 = arith.select %gt3A_180, %broadcast_in_dim3A_178, %select_n3A_167 : vector<16xi1>, vector<16xi32>
        %select_n3A_184 = arith.select %gt3A_179, %select_n3A_169, %select_n3A_183 : vector<16xi1>, vector<16xi32>
        %select_n3A_185 = arith.select %gt3A_179, %get3A_177, %select_n3A_168 : vector<16xi1>, vector<16xf32>
        %select_n3A_186 = arith.select %gt3A_179, %broadcast_in_dim3A_178, %select_n3A_169 : vector<16xi1>, vector<16xi32>
        scf.yield %select_n3A_185, %select_n3A_186, %select_n3A_182, %select_n3A_184 : vector<16xf32>, vector<16xi32>, vector<16xf32>, vector<16xi32>
      }
      %scan3A_17 = arith.constant 64 : i32
      %sub3A = arith.subf %scan3A_16#2, %scan3A_16#0 : vector<16xf32>
      %exp3A = math.exp %sub3A : vector<16xf32>
      %add3A_18 = arith.constant 1.000000e+00 : f32
      %add3A_19 = vector.broadcast %add3A_18 : f32 to vector<16xf32>
      %add3A_20 = arith.addf %add3A_19, %exp3A : vector<16xf32>
      %div3A = arith.constant 1.000000e+00 : f32
      %div3A_21 = vector.broadcast %div3A : f32 to vector<16xf32>
      %div3A_22 = arith.divf %div3A_21, %add3A_20 : vector<16xf32>
      %sub3A_23 = arith.constant 1.000000e+00 : f32
      %sub3A_24 = vector.broadcast %sub3A_23 : f32 to vector<16xf32>
      %sub3A_25 = arith.subf %sub3A_24, %div3A_22 : vector<16xf32>
      %mul3A_26 = arith.constant 16 : i32
      %mul3A_27 = arith.muli %scan3A_8, %mul3A_26 : i32
      %swap3A = arith.constant 0 : i32
      %swap3A_28 = arith.index_cast %swap3A : i32 to index
      %swap3A_29 = arith.index_cast %mul3A_27 : i32 to index
      %swap3A_30 = tpu.vector_load %arg6[%swap3A_28, %swap3A_29] {strides = array<i32>} : memref<2x512xi32, #tpu.memory_space<vmem>>, vector<1x16xi32>,
      %swap3A_31 = vector.shape_cast %swap3A_30 : vector<1x16xi32> to vector<16xi32>
      %swap3A_32 = vector.shape_cast %scan3A_16#1 : vector<16xi32> to vector<1x16xi32>
      tpu.vector_store %arg6[%swap3A_28, %swap3A_29], %swap3A_32 {strides = array<i32>} : memref<2x512xi32, #tpu.memory_space<vmem>>, vector<1x16xi32>,
      %swap3A_33 = arith.constant 1 : i32
      %swap3A_34 = arith.index_cast %swap3A_33 : i32 to index
      %swap3A_35 = arith.index_cast %mul3A_27 : i32 to index
      %swap3A_36 = tpu.vector_load %arg6[%swap3A_34, %swap3A_35] {strides = array<i32>} : memref<2x512xi32, #tpu.memory_space<vmem>>, vector<1x16xi32>,
      %swap3A_37 = vector.shape_cast %swap3A_36 : vector<1x16xi32> to vector<16xi32>
      %swap3A_38 = vector.shape_cast %scan3A_16#3 : vector<16xi32> to vector<1x16xi32>
      tpu.vector_store %arg6[%swap3A_34, %swap3A_35], %swap3A_38 {strides = array<i32>} : memref<2x512xi32, #tpu.memory_space<vmem>>, vector<1x16xi32>,
      %swap3A_39 = arith.constant 0 : i32
      %swap3A_40 = arith.index_cast %swap3A_39 : i32 to index
      %swap3A_41 = arith.index_cast %mul3A_27 : i32 to index
      %swap3A_42 = tpu.vector_load %arg7[%swap3A_40, %swap3A_41] {strides = array<i32>} : memref<2x512xf32, #tpu.memory_space<vmem>>, vector<1x16xf32>,
      %swap3A_43 = vector.shape_cast %swap3A_42 : vector<1x16xf32> to vector<16xf32>
      %swap3A_44 = vector.shape_cast %div3A_22 : vector<16xf32> to vector<1x16xf32>
      tpu.vector_store %arg7[%swap3A_40, %swap3A_41], %swap3A_44 {strides = array<i32>} : memref<2x512xf32, #tpu.memory_space<vmem>>, vector<1x16xf32>,
      %swap3A_45 = arith.constant 1 : i32
      %swap3A_46 = arith.index_cast %swap3A_45 : i32 to index
      %swap3A_47 = arith.index_cast %mul3A_27 : i32 to index
      %swap3A_48 = tpu.vector_load %arg7[%swap3A_46, %swap3A_47] {strides = array<i32>} : memref<2x512xf32, #tpu.memory_space<vmem>>, vector<1x16xf32>,
      %swap3A_49 = vector.shape_cast %swap3A_48 : vector<1x16xf32> to vector<16xf32>
      %swap3A_50 = vector.shape_cast %sub3A_25 : vector<16xf32> to vector<1x16xf32>
      tpu.vector_store %arg7[%swap3A_46, %swap3A_47], %swap3A_50 {strides = array<i32>} : memref<2x512xf32, #tpu.memory_space<vmem>>, vector<1x16xf32>,
    }
    %scan3A_7 = arith.constant 32 : i32
    "tpu.region"() ({
      %run_scoped3A = tpu.sem_alloc : memref<!tpu.dma_semaphore, #tpu.memory_space<semaphore_mem>>
      %dma_start3A = arith.constant 0 : i32
      %dma_start3A_8 = tpu.memref_slice %arg3[%dma_start3A, %mul3A_2] : memref<2x16384xi32, #tpu.memory_space<hbm>> -> memref<2x512xi32, #tpu.memory_space<hbm>>
      %dma_start3A_9 = arith.constant 0 : i32
      %dma_start3A_10 = tpu.memref_slice %arg3[%dma_start3A_9, %mul3A_2] : memref<2x16384xi32, #tpu.memory_space<hbm>> -> memref<2x512xi32, #tpu.memory_space<hbm>>
      tpu.enqueue_dma source(%arg6 : memref<2x512xi32, #tpu.memory_space<vmem>>) target(%dma_start3A_10 : memref<2x512xi32, #tpu.memory_space<hbm>>) target_semaphore(%run_scoped3A : memref<!tpu.dma_semaphore, #tpu.memory_space<semaphore_mem>>)
      %dma_wait3A = arith.constant 0 : i32
      %dma_wait3A_11 = tpu.memref_slice %arg3[%dma_wait3A, %mul3A_2] : memref<2x16384xi32, #tpu.memory_space<hbm>> -> memref<2x512xi32, #tpu.memory_space<hbm>>
      %dma_wait3A_12 = arith.constant 0 : i32
      %dma_wait3A_13 = tpu.memref_slice %arg3[%dma_wait3A_12, %mul3A_2] : memref<2x16384xi32, #tpu.memory_space<hbm>> -> memref<2x512xi32, #tpu.memory_space<hbm>>
      tpu.wait_dma2 semaphore(%run_scoped3A : memref<!tpu.dma_semaphore, #tpu.memory_space<semaphore_mem>>) src(%arg6 : memref<2x512xi32, #tpu.memory_space<vmem>>) dst(%dma_wait3A_13 : memref<2x512xi32, #tpu.memory_space<hbm>>)
      tpu.yield
    }) : () -> ()
    "tpu.region"() ({
      %run_scoped3A = tpu.sem_alloc : memref<!tpu.dma_semaphore, #tpu.memory_space<semaphore_mem>>
      %dma_start3A = arith.constant 0 : i32
      %dma_start3A_8 = tpu.memref_slice %arg4[%dma_start3A, %mul3A_2] : memref<2x16384xf32, #tpu.memory_space<hbm>> -> memref<2x512xf32, #tpu.memory_space<hbm>>
      %dma_start3A_9 = arith.constant 0 : i32
      %dma_start3A_10 = tpu.memref_slice %arg4[%dma_start3A_9, %mul3A_2] : memref<2x16384xf32, #tpu.memory_space<hbm>> -> memref<2x512xf32, #tpu.memory_space<hbm>>
      tpu.enqueue_dma source(%arg7 : memref<2x512xf32, #tpu.memory_space<vmem>>) target(%dma_start3A_10 : memref<2x512xf32, #tpu.memory_space<hbm>>) target_semaphore(%run_scoped3A : memref<!tpu.dma_semaphore, #tpu.memory_space<semaphore_mem>>)
      %dma_wait3A = arith.constant 0 : i32
      %dma_wait3A_11 = tpu.memref_slice %arg4[%dma_wait3A, %mul3A_2] : memref<2x16384xf32, #tpu.memory_space<hbm>> -> memref<2x512xf32, #tpu.memory_space<hbm>>
      %dma_wait3A_12 = arith.constant 0 : i32
      %dma_wait3A_13 = tpu.memref_slice %arg4[%dma_wait3A_12, %mul3A_2] : memref<2x16384xf32, #tpu.memory_space<hbm>> -> memref<2x512xf32, #tpu.memory_space<hbm>>
      tpu.wait_dma2 semaphore(%run_scoped3A : memref<!tpu.dma_semaphore, #tpu.memory_space<semaphore_mem>>) src(%arg7 : memref<2x512xf32, #tpu.memory_space<vmem>>) dst(%dma_wait3A_13 : memref<2x512xf32, #tpu.memory_space<hbm>>)
      tpu.yield
    }) : () -> ()
    return
  }
}

module attributes {stable_mosaic.version = 14 : i64} {
  func.func @_matmul_body(%arg0: i32, %arg1: memref<1024x2048xf32, #tpu.memory_space<vmem>>, %arg2: memref<64x2048xf32, #tpu.memory_space<vmem>>, %arg3: memref<2x64x512xf32, #tpu.memory_space<vmem>>) attributes {dimension_semantics = [#tpu.dimension_semantics<arbitrary>], iteration_bounds = array<i64: 16>, scalar_prefetch = 0 : i64, scratch_operands = 0 : i64, tpu.core_type = #tpu.core_type<tc>, window_params = [{transform_indices = @transform_0, window_bounds = array<i64: 1024, 2048>}, {pipeline_mode = #tpu.pipeline_mode<synchronous>, transform_indices = @transform_1, window_bounds = array<i64: 64, 2048>}, {transform_indices = @transform_2, window_bounds = array<i64: 2, 64, 512>}]} {
    %get3A = arith.constant 0 : index
    %get3A_0 = arith.constant 0 : index
    %get3A_1 = vector.load %arg2[%get3A, %get3A_0] : memref<64x2048xf32, #tpu.memory_space<vmem>>, vector<64x2048xf32>
    %get3A_2 = arith.constant 0 : index
    %get3A_3 = arith.constant 0 : index
    %get3A_4 = vector.load %arg1[%get3A_2, %get3A_3] : memref<1024x2048xf32, #tpu.memory_space<vmem>>, vector<1024x2048xf32>
    %dot_general3A = arith.constant dense<0.000000e+00> : vector<64x1024xf32>
    %dot_general3A_5 = tpu.matmul %get3A_1, %get3A_4, %dot_general3A {dimension_numbers = #tpu.dot_dimension_numbers<[1], [1], [0], [0], [0, 0, 1, 0], [], []>, transpose_lhs_hint = false} : vector<64x2048xf32>, vector<1024x2048xf32>, vector<64x1024xf32> -> vector<64x1024xf32>
    %slice3A = vector.extract_strided_slice %dot_general3A_5 {offsets = [0, 0], sizes = [64, 512], strides = [1, 1]} : vector<64x1024xf32> to vector<64x512xf32>
    %swap3A = arith.constant 0 : index
    %swap3A_6 = arith.constant 0 : index
    %swap3A_7 = arith.constant 0 : index
    %swap3A_8 = vector.load %arg3[%swap3A, %swap3A_6, %swap3A_7] : memref<2x64x512xf32, #tpu.memory_space<vmem>>, vector<1x64x512xf32>
    %swap3A_9 = vector.shape_cast %swap3A_8 : vector<1x64x512xf32> to vector<64x512xf32>
    %swap3A_10 = vector.shape_cast %slice3A : vector<64x512xf32> to vector<1x64x512xf32>
    tpu.vector_store %arg3[%swap3A, %swap3A_6, %swap3A_7], %swap3A_10 {strides = array<i32>} : memref<2x64x512xf32, #tpu.memory_space<vmem>>, vector<1x64x512xf32>,
    %slice3A_11 = vector.extract_strided_slice %dot_general3A_5 {offsets = [0, 512], sizes = [64, 512], strides = [1, 1]} : vector<64x1024xf32> to vector<64x512xf32>
    %swap3A_12 = arith.constant 1 : index
    %swap3A_13 = arith.constant 0 : index
    %swap3A_14 = arith.constant 0 : index
    %swap3A_15 = vector.load %arg3[%swap3A_12, %swap3A_13, %swap3A_14] : memref<2x64x512xf32, #tpu.memory_space<vmem>>, vector<1x64x512xf32>
    %swap3A_16 = vector.shape_cast %swap3A_15 : vector<1x64x512xf32> to vector<64x512xf32>
    %swap3A_17 = vector.shape_cast %slice3A_11 : vector<64x512xf32> to vector<1x64x512xf32>
    tpu.vector_store %arg3[%swap3A_12, %swap3A_13, %swap3A_14], %swap3A_17 {strides = array<i32>} : memref<2x64x512xf32, #tpu.memory_space<vmem>>, vector<1x64x512xf32>,
    return
  }
  func.func @transform_0(%arg0: i32) -> (i32, i32) {
    %c0_i32 = arith.constant 0 : i32
    %c0_i32_0 = arith.constant 0 : i32
    return %arg0, %c0_i32 : i32, i32
  }
  func.func @transform_1(%arg0: i32) -> (i32, i32) {
    %c0_i32 = arith.constant 0 : i32
    %c0_i32_0 = arith.constant 0 : i32
    %c0_i32_1 = arith.constant 0 : i32
    return %c0_i32, %c0_i32_0 : i32, i32
  }
  func.func @transform_2(%arg0: i32) -> (i32, i32, i32) {
    %c0_i32 = arith.constant 0 : i32
    %c0_i32_0 = arith.constant 0 : i32
    %c0_i32_1 = arith.constant 0 : i32
    return %arg0, %c0_i32, %c0_i32_0 : i32, i32, i32
  }
}

</mosaic_0001>

<sc_bundles>
// kernel: kernel.4.cloned.1.call-start
scs
__scs_entry_jumppad:
0x0: {  	(pc) =	sbr.rel $0x88, $3  }
0x1: {  	(tag) =	ssettag $0x0;
	lr =	simm.s32 $0x1  }
0x2: {  	[smem:$0x3F9F] =	sst lr;
	_ =	strace $0xD0000000  }
0x3: {  	_ = 	snop  }
0x4: {  	_ = 	snop  }
0x5: {  	_ = 	snop  }
0x6: {  	_ = 	snop  }
0x7: {  	_ = 	snop  }
__scs_overlays_trampoline_lowered:
0x8: {  	[smem:$0x3FAE] =	sst s0  }
0x9: {  	[smem:$0x3FAF] =	sst s1  }
0xa: {  	[smem:$0x3FB0] =	sst s2  }
0xb: {  	[smem:$0x3FB1] =	sst s3  }
0xc: {  	[smem:$0x3FB2] =	sst s4  }
0xd: {  	[smem:$0x3FB3] =	sst s5  }
0xe: {  	[smem:$0x3FB4] =	sst s6  }
0xf: {  	[smem:$0x3FB5] =	sst s7  }
0x10: {  	[smem:$0x3FB6] =	sst s8  }
0x11: {  	[smem:$0x3FB7] =	sst s9;
	s0 =	simm.s32 @!p0 $0x0  }
0x12: {  	s1 =	sld [smem:$0x3F9D];
	s0 =	simm.s32 @p0 $0x1  }
0x13: {  	[smem:$0x3FB8] =	sst s0;
	s0 =	simm.s32 @!p1 $0x0  }
0x14: {  	s2 =	sld [smem:$0x3F9C];
	s0 =	simm.s32 @p1 $0x1  }
0x15: {  	[smem:$0x3FB9] =	sst s0;
	s0 =	simm.s32 @!p2 $0x0  }
0x16: {  	s3 =	sld [smem:$0x3FDB];
	s0 =	simm.s32 @p2 $0x1  }
0x17: {  	s4 =	simm.s32 $0x1BF5;
	[smem:$0x3FBB] =	sst s0  }
0x18: {  	s0 =	sld [smem:$0x3F9E];
	_ =	swait.ge [sflag:s4], $0x0  }
0x19: {  	s7 =	sld [smem:$0x3F9F]  }
0x1a: {  	s8 =	sadd.s32 $0xFFFFE003, lr  }
0x1b: {  	s9 =	sadd.s32 $0xFFFFFEF7, lr;
	s5 =	simm.s32 $0xFFFFFFFF;
	p2 =	slt.u32 s8, $0xFFFFF086  }
0x1c: {  	p1 =	slt.u32 s9, $0xF7A;
	s5 =	simm.s32 @!p2 $0x0  }
0x1d: {  	s5 =	simm.s32 @p1 $0x1;
	p0 =	seq.s32 s7, s2  }
0x1e: {  	s7 =	smul.u32 @!p0 $0xF7A, s2;
	p2 =	seq.s32 @!p0 s5, $0x0  }
0x1f: {  	s9 =	smul.u32 $0xF7A, s1;
	s8 =	simm.s32 @!p0 $0x1BF5;
	p2 =	por !p2, p0  }
0x20: {  	[sflag:s8] =	ssyncset.s32 @!p0 $0xFFFFF086;
	s6 =	sadd.s32 @!p0 s3, s7;
	s7 =	simm.s32 @!p0 $0x108  }
0x21: {  	s3 =	sadd.s32 s3, s9;
	s6 =	sadd.s32 @!p0 $0x88, s6;
	s7 =	simm.s32 @p2 $0x1082  }
0x22: {  	[simem:s7], [sflag:s8] =	dma.local @!p0 [hbm:s6], $0xF7A  }
0x23: {  	s9 =	sor.u32 $0xD0000000, s2;
	s6 =	simm.s32 $0x108;
	_ =	swait.ge @!p0 [sflag:s8], $0x0  }
0x24: {  	s3 =	sadd.s32 $0x88, s3;
	s6 =	simm.s32 @!p1 $0x1082;
	[sflag:s4] =	ssyncset.s32 $0xFFFFF086  }
0x25: {  	[simem:s6], [sflag:s4] =	dma.local [hbm:s3], $0xF7A  }
0x26: {  	[smem:$0x3F9F] =	sst s1;
	(tag) =	ssettag s2;
	_ =	strace s9  }
0x27: {  	s1 =	sld [smem:$0x3FAF]  }
0x28: {  	s2 =	sld [smem:$0x3FB0]  }
0x29: {  	s4 =	sld [smem:$0x3FB2]  }
0x2a: {  	p0 =	seq.s32 s5, $0x0;
	s5 =	sld [smem:$0x3FB3]  }
0x2b: {  	s6 =	sld [smem:$0x3FB4]  }
0x2c: {  	s7 =	sld [smem:$0x3FB5]  }
0x2d: {  	s3 =	simm.s32 $0x108;
	s8 =	sld [smem:$0x3FB6]  }
0x2e: {  	s3 =	simm.s32 @!p0 $0x1082;
	s9 =	sld [smem:$0x3FB7]  }
0x2f: {  	lr =	sadd.s32 s0, s3;
	s0 =	sld [smem:$0x3FAE]  }
0x30: {  	s3 =	sld [smem:$0x3FB1]  }
0x31: {  	[smem:$0x3FBA] =	sst s10  }
0x32: {  	s10 =	sld [smem:$0x3FB8];
	_ =	sdelay $0x3  }
0x33: {  	p0 =	seq.s32 s10, $0x1;
	s10 =	sld [smem:$0x3FBA];
	_ =	sdelay $0x3  }
0x34: {  	[smem:$0x3FBA] =	sst s10  }
0x35: {  	s10 =	sld [smem:$0x3FB9];
	_ =	sdelay $0x3  }
0x36: {  	p1 =	seq.s32 s10, $0x1;
	s10 =	sld [smem:$0x3FBA];
	_ =	sdelay $0x3  }
0x37: {  	[smem:$0x3FBA] =	sst s10  }
0x38: {  	s10 =	sld [smem:$0x3FBB]  }
0x39: {  	_ = 	snop;
	(pc) =	sbr.ind lr, $3  }
0x3a: {  	_ = 	snop  }
0x3b: {  	_ = 	snop  }
0x3c: {  	p2 =	seq.s32 s10, $0x1;
	s10 =	sld [smem:$0x3FBA]  }
0x3d: {  	_ =	shalt  }
0x3e: {  	_ =	shalt  }
0x3f: {  	_ =	shalt  }
0x40: {  	_ =	shalt  }
0x41: {  	_ =	shalt  }
0x42: {  	_ =	shalt  }
0x43: {  	_ =	shalt  }
0x44: {  	_ =	shalt  }
0x45: {  	_ =	shalt  }
0x46: {  	_ =	shalt  }
0x47: {  	_ =	shalt  }
0x48: {  	_ =	shalt  }
0x49: {  	_ =	shalt  }
0x4a: {  	_ =	shalt  }
0x4b: {  	_ =	shalt  }
0x4c: {  	_ =	shalt  }
0x4d: {  	_ =	shalt  }
0x4e: {  	_ =	shalt  }
0x4f: {  	_ =	shalt  }
0x50: {  	_ =	shalt  }
0x51: {  	_ =	shalt  }
0x52: {  	_ =	shalt  }
0x53: {  	_ =	shalt  }
0x54: {  	_ =	shalt  }
0x55: {  	_ =	shalt  }
0x56: {  	_ =	shalt  }
0x57: {  	_ =	shalt  }
0x58: {  	_ =	shalt  }
0x59: {  	_ =	shalt  }
0x5a: {  	_ =	shalt  }
0x5b: {  	_ =	shalt  }
0x5c: {  	_ =	shalt  }
0x5d: {  	_ =	shalt  }
0x5e: {  	_ =	shalt  }
0x5f: {  	_ =	shalt  }
0x60: {  	_ =	shalt  }
0x61: {  	_ =	shalt  }
0x62: {  	_ =	shalt  }
0x63: {  	_ =	shalt  }
0x64: {  	_ =	shalt  }
0x65: {  	_ =	shalt  }
0x66: {  	_ =	shalt  }
0x67: {  	_ =	shalt  }
0x68: {  	_ =	shalt  }
0x69: {  	_ =	shalt  }
0x6a: {  	_ =	shalt  }
0x6b: {  	_ =	shalt  }
0x6c: {  	_ =	shalt  }
0x6d: {  	_ =	shalt  }
0x6e: {  	_ =	shalt  }
0x6f: {  	_ =	shalt  }
0x70: {  	_ =	shalt  }
0x71: {  	_ =	shalt  }
0x72: {  	_ =	shalt  }
0x73: {  	_ =	shalt  }
0x74: {  	_ =	shalt  }
0x75: {  	_ =	shalt  }
0x76: {  	_ =	shalt  }
0x77: {  	_ =	shalt  }
0x78: {  	_ =	shalt  }
0x79: {  	_ =	shalt  }
0x7a: {  	_ =	shalt  }
0x7b: {  	_ =	shalt  }
0x7c: {  	_ =	shalt  }
0x7d: {  	_ =	shalt  }
0x7e: {  	_ =	shalt  }
0x7f: {  	_ =	shalt  }
0x80: {  	_ =	shalt  }
0x81: {  	_ =	shalt  }
0x82: {  	_ =	shalt  }
0x83: {  	_ =	shalt  }
0x84: {  	_ =	shalt  }
0x85: {  	_ =	shalt  }
0x86: {  	_ =	shalt  }
0x87: {  	_ =	shalt  }
.Lfunc_end0:
.L_simem_size_0:
called_computation_lowered:
.L_overlay_start_0:
0x88: {  	s2 =	sld [smem:$0x3FD9]  }
0x89: {  	s3 =	sld [smem:$0x3FFE];
	_ =	sdelay $0x1  }
0x8a: {  	s1 =	srdreg.scid  }
0x8b: {  	s0 =	sand.u32 $0x1, s1  }
0x8c: {  	s14 =	sshll.u32 s0, $0xA;
	s2 =	sadd.s32 s3, s2  }
0x8d: {  	s2 =	sadd.s32 s2, s14  }
0x8e: {  	[smem:$0x3FC6] =	sst s2  }
0x8f: {  	_ = 	snop  }
0x90: {  	s2 =	sld [smem:$0x3FD0];
	_ =	sdelay $0x2  }
0x91: {  	s15 =	simm.s32 $0xA;
	s4 =	simm.s32 $0x10  }
0x92: {  	[smem:s4], [sflag:s15] =	dma.local [hbm:s2], $0x1  }
0x93: {  	_ =	swait.eq [sflag:s15], $0x1  }
0x94: {  	[sflag:s15] =	ssyncset.done $0x0  }
0x95: {  	s16 =	sld [smem:$0x10];
	[sflag:s15] =	ssyncadd.s32 $0xFFFFFFFF  }
0x96: {  	s17 =	sld [smem:$0x11];
	(tm) =	ssettm $0x1  }
0x97: {  	s18 =	sld [smem:$0x3FFB];
	_ =	sdelay $0x3  }
0x98: {  	_ =	strace s18  }
0x99: {  	s4 =	sld [smem:$0x3FFC];
	_ =	sdelay $0x3  }
0x9a: {  	_ =	strace s4  }
0x9b: {  	s4 =	sld [smem:$0x3FFD];
	_ =	sdelay $0x3  }
0x9c: {  	_ =	strace s4  }
0x9d: {  	_ =	strace $0x8FFFFFFF  }
0x9e: {  	s19 =	sld [smem:$0x3FDB];
	_ =	sdelay $0x1  }
0x9f: {  	s5 =	simm.s32 $_scs_section_size  }
0xa0: {  	s6 =	simm.s32 $_size__tile_overlayer_lowered;
	s7 =	simm.s32 $_tile_overlayer_lowered  }
0xa1: {  	s22 =	simm.s32 $0x1BFF;
	s21 =	sshll.u32 s7, $0x1;
	s4 =	sadd.s32 s5, s19  }
0xa2: {  	s8 =	simm.s32 $0x0;
	s20 =	sshll.u32 s6, $0x1;
	s6 =	sadd.s32 s21, s4  }
0xa3: {  	[timem:s8], [sflag:s22] =	dma.local [hbm:s6], s20  }
0xa4: {  	_ =	swait.ge [sflag:s22], s20  }
0xa5: {  	s5 =	ssub.s32 $0x0, s20;
	[sflag:s22] =	ssyncset.done $0x0  }
0xa6: {  	[sflag:s22] =	ssyncadd.s32 s5;
	_ =	sdelay $0x1  }
0xa7: {  	s23 =	simm.s32 $0x1B8B  }
0xa8: {  	_ =	swait.ge [sflag:s23], $0x1  }
0xa9: {  	[sflag:s23] =	ssyncset.done $0x0  }
0xaa: {  	s25 =	simm.s32 $0x1B8E;
	s24 =	sld [smem:$0x3FFE];
	[sflag:s23] =	ssyncadd.s32 $0xFFFFFFFF  }
0xab: {  	s26 =	simm.s32 $execute0_lowered;
	[smem:$0x3FD2] =	sst s25  }
0xac: {  	s6 =	sshll.u32 s26, $0x1;
	_ =	strace $0x80000046;
	[dreg:$0x1] =	wrdreg $0xFFFFFFFF  }
0xad: {  	s28 =	simm.s32 $_size_execute0_lowered;
	s4 =	sadd.s32 s4, s6;
	[dreg:$0x0] =	wrdreg $0x0  }
0xae: {  	s6 =	sshll.u32 s28, $0x1;
	[dreg:$0x2] =	wrdreg s4  }
0xaf: {  	[dreg:$0x3] =	wrdreg s6  }
0xb0: {  	[dreg:$0x4] =	wrdreg $0xC0  }
0xb1: {  	_ =	task [dreg:s8], $0x5FFFF  }
0xb2: {  	[dreg:$0x1] =	wrdreg $0xFFFFFFFF  }
0xb3: {  	[dreg:$0x0] =	wrdreg $0x60  }
0xb4: {  	[dreg:$0x2] =	wrdreg s24  }
0xb5: {  	[dreg:$0x3] =	wrdreg s16  }
0xb6: {  	[dreg:$0x4] =	wrdreg s17  }
0xb7: {  	[dreg:$0x5] =	wrdreg $0x9  }
0xb8: {  	_ =	task.clear_ibuf [dreg:s8], $0x6FFFF;
	_ =	strace $0x90000046  }
0xb9: {  	s29 =	simm.s32 $0x9;
	_ =	strace $0x80000048  }
0xba: {  	_ =	swait.ge [sflag:s29], $0x1  }
0xbb: {  	[sflag:s29] =	ssyncadd.s32 $0xFFFFFFFF  }
0xbc: {  	_ =	strace $0x90000048  }
0xbd: {  	_ =	sfence  }
0xbe: {  	s30 =	sld [smem:$0x0];
	_ =	sdelay $0x2  }
0xbf: {  	s31 =	sshll.u32 s1, $0xD;
	s1 =	sshrl.u32 s1, $0x2  }
0xc0: {  	s3 =	sand.u32 $0x4000, s31;
	s1 =	sadd.s32 s1, s30  }
0xc1: {  	s0 =	sor.u32 s3, s0;
	s1 =	sshll.u32 s1, $0x11  }
0xc2: {  	s0 =	sor.u32 s1, s0  }
0xc3: {  	s0 =	sadd.s32 $0x8F2B, s0  }
0xc4: {  	[sflag:s0] =	ssyncadd.remote.s32 $0x1  }
0xc5: {  	_ =	sfence.sel $0xFFFF  }
0xc6: {  	[dreg:$0x0] =	wrdreg $0xFFFFFFFF;
	(pc) =	sbr.abs _section_cstart, $3  }
0xc7: {  	[dreg:$0x1] =	wrdreg $0xFFFFFFFF  }
0xc8: {  	_ =	task.clear_ibuf [dreg:s8], $0x2FFFF;
	_ =	strace $0x9FFFFFFF  }
0xc9: {  	(tm) =	ssettm $0x7FFFFFFF  }
tec
execute0_lowered:
.L_overlay_start_1:
0x0: {  	(tag) =	ssettag $0x1  }
0x1: {  	s3 =	rddreg [dreg:$0x0]  }
0x2: {  	s4 =	rddreg [dreg:$0x1]  }
0x3: {  	s5 =	rddreg [dreg:$0x2]  }
0x4: {  	s0 =	rddreg [dreg:$0x3];
	s6 =	srdreg.scid  }
0x5: {  	s1 =	stileid.u32;
	s2 =	simm.s32 $0x0;
	s9 =	simm.s32 $0x8400  }
0x6: {  	s10 =	simm.s32 $0x0;
	s6 =	sand.u32 $0x1, s6;
	s7 =	sshll.u32 s1, $0x1  }
0x7: {  	[smem:$0x7FF] =	sst s2;
	s7 =	sor.u32 s6, s7;
	s6 =	ssub.s32 $0x2, s6  }
0x8: {  	_ =	strace $0x80000047;
	s8 =	sshll.u32 s7, $0xC;
	s31 =	sshrl.u32 s6, $0x1  }
0x9: {  	s7 =	sshll.u32 s7, $0x7;
	s3 =	sadd.s32 s8, s3;
	s6 =	ssub.s32 s6, s31  }
0xa: {  	s4 =	sadd.s32 s4, s7;
	s5 =	sadd.s32 s5, s7;
	s7 =	simm.s32 $0x1  }
0xb: {  	s8 =	simm.s32 $0x8000;
	s3 =	sadd.s32 $0xC00, s3;
	s6 =	smax.u32 s6, $0x1  }
.LBB2_1:
0xc: {  	[tilespmem:s2], [sflag:$0x1] =	stream.linear.gather [hbm4b:s3+s2], $0x8000, $0x38;
	[tilespmem:$0x8800] =	vst v63  }
0xd: {  	_ =	swait.ge [sflag:s7], $0x8000  }
0xe: {  	s11 =	simm.s32 $0x0;
	[sflag:s7] =	ssyncset.done $0x0  }
0xf: {  	s12 =	simm.s32 $0x0;
	s13 =	simm.s32 $0x0;
	[sflag:s7] =	ssyncadd.s32 $0xFFFF8000  }
.LBB2_2:
0x10: {  	s14 =	sshll.u32 s12, $0x2;
	s15 =	sand.u32 $0x7, s11  }
0x11: {  	s14 =	sand.u32 $0xFFFFF000, s14;
	s15 =	sshll.u32 s15, $0x6  }
0x12: {  	s14 =	sor.u32 s15, s14  }
0x13: {  	s14 =	sshrl.u32 s14, $0x2  }
0x14: {  	s26 =	sor.u32 $0x200, s14  }
0x15: {  	v0 =	vld [tilespmem:s26+$0xFFFFFE00];
	_ =	sdelay $0x2  }
0x16: {  	v1 =	vld [tilespmem:s26+$0xFFFFFE80]  }
0x17: {  	v2 =	vimm.f32 $-Inf  }
0x18: {  	vm0 =	vgt.f32 v0, v2  }
0x19: {  	v3 =	vimm.s32 $0x0;
	s14 =	simm.s32 $0x0;
	v4 =	vld [tilespmem:s26+$0xFFFFFF00];
	v0 =	vsel vm0, v0, v2  }
0x1a: {  	v5 =	vsel vm0, s14, v3;
	v2 =	vsel vm0, v2, v0  }
0x1b: {  	s16 =	simm.s32 $0x1;
	v3 =	vsel vm0, v3, v5;
	vm0 =	vgt.f32 v1, v2  }
0x1c: {  	v6 =	vld [tilespmem:s26+$0xFFFFFF80];
	vm1 =	vgt.f32 v1, v0;
	v2 =	vsel vm0, v1, v2;
	v3 =	vsel vm0, s16, v3  }
0x1d: {  	v2 =	vsel vm1, v0, v2;
	v3 =	vsel vm1, v5, v3  }
0x1e: {  	s28 =	simm.s32 $0x2;
	v5 =	vsel vm1, s16, v5;
	v0 =	vsel vm1, v1, v0;
	vm0 =	vgt.f32 v4, v2  }
0x1f: {  	vm1 =	vgt.f32 v4, v0;
	v1 =	vsel vm0, v4, v2;
	v2 =	vsel vm0, s28, v3;
	v3 =	vld [tilespmem:s26+$0x0]  }
0x20: {  	v1 =	vsel vm1, v0, v1  }
0x21: {  	v2 =	vsel vm1, v5, v2;
	v0 =	vsel vm1, v4, v0;
	vm0 =	vgt.f32 v6, v1  }
0x22: {  	s29 =	simm.s32 $0x3;
	v7 =	vld [tilespmem:s26+$0x80];
	v5 =	vsel vm1, s28, v5;
	vm1 =	vgt.f32 v6, v0;
	v1 =	vsel vm0, v6, v1  }
0x23: {  	v2 =	vsel vm0, s29, v2;
	v4 =	vsel vm1, s29, v5;
	v1 =	vsel vm1, v0, v1  }
0x24: {  	s30 =	simm.s32 $0x4;
	v2 =	vsel vm1, v5, v2;
	v0 =	vsel vm1, v6, v0;
	vm0 =	vgt.f32 v3, v1  }
0x25: {  	vm1 =	vgt.f32 v3, v0;
	v1 =	vsel vm0, v3, v1;
	v5 =	vsel vm0, s30, v2;
	v2 =	vld [tilespmem:s26+$0x100]  }
0x26: {  	v1 =	vsel vm1, v0, v1  }
0x27: {  	v6 =	vsel vm1, s30, v4;
	v3 =	vsel vm1, v3, v0;
	vm0 =	vgt.f32 v7, v1  }
0x28: {  	s31 =	simm.s32 $0x5;
	v5 =	vsel vm1, v4, v5;
	vm1 =	vgt.f32 v7, v3;
	v4 =	vld [tilespmem:s26+$0x180];
	v0 =	vsel vm0, v7, v1  }
0x29: {  	v1 =	vsel vm0, s31, v5;
	v5 =	vsel vm1, v7, v3;
	v8 =	vsel vm1, v3, v0  }
0x2a: {  	s18 =	sshll.u32 s13, $0x4;
	s19 =	simm.s32 $0x6;
	s17 =	sadd.s32 $0x1000, s26;
	v1 =	vsel vm1, v6, v1;
	v0 =	vsel vm1, s31, v6;
	vm1 =	vgt.f32 v2, v8  }
0x2b: {  	s15 =	sand.u32 $0x70, s18;
	s18 =	simm.s32 $0x10;
	s16 =	simm.s32 $0x8;
	v3 =	vld [tilespmem:s17+$0xFFFFFE00];
	vm0 =	vgt.f32 v2, v5;
	v6 =	vsel vm1, v2, v8;
	v1 =	vsel vm1, s19, v1  }
.LBB2_3:
0x2c: {  	p0 =	slt.u32 s18, $0x38;
	v6 =	vsel vm0, v5, v6;
	v1 =	vsel vm0, v0, v1;
	v0 =	vsel vm0, s19, v0  }
0x2d: {  	v2 =	vsel vm0, v2, v5;
	s19 =	sadd.s32 $0x7, s14;
	s14 =	smov.u32 s16;
	s16 =	smov.u32 s18;
	vm0 =	vgt.f32 v4, v6  }
0x2e: {  	vm1 =	vgt.f32 v4, v2;
	v5 =	vld [tilespmem:s17+$0xFFFFFE80];
	v6 =	vsel vm0, v4, v6;
	v1 =	vsel vm0, s19, v1  }
0x2f: {  	v6 =	vsel vm1, v2, v6;
	v1 =	vsel vm1, v0, v1;
	v2 =	vsel vm1, v4, v2  }
0x30: {  	v0 =	vsel vm1, s19, v0;
	vm0 =	vgt.f32 v3, v6  }
0x31: {  	vm1 =	vgt.f32 v3, v2;
	v4 =	vsel vm0, v3, v6;
	v1 =	vsel vm0, s14, v1;
	v6 =	vld [tilespmem:s17+$0xFFFFFF00]  }
0x32: {  	v4 =	vsel vm1, v2, v4;
	v1 =	vsel vm1, v0, v1;
	v0 =	vsel vm1, s14, v0  }
0x33: {  	s19 =	sadd.s32 $0x1, s14;
	v2 =	vsel vm1, v3, v2;
	vm0 =	vgt.f32 v5, v4  }
0x34: {  	vm1 =	vgt.f32 v5, v2;
	v3 =	vsel vm0, v5, v4;
	v1 =	vsel vm0, s19, v1;
	v4 =	vld [tilespmem:s17+$0xFFFFFF80]  }
0x35: {  	v3 =	vsel vm1, v2, v3;
	v1 =	vsel vm1, v0, v1;
	v0 =	vsel vm1, s19, v0  }
0x36: {  	v2 =	vsel vm1, v5, v2;
	s19 =	sadd.s32 $0x2, s14;
	vm0 =	vgt.f32 v6, v3  }
0x37: {  	vm1 =	vgt.f32 v6, v2;
	v3 =	vsel vm0, v6, v3;
	v1 =	vsel vm0, s19, v1;
	v5 =	vld [tilespmem:s17+$0x0]  }
0x38: {  	v3 =	vsel vm1, v2, v3;
	v1 =	vsel vm1, v0, v1;
	v0 =	vsel vm1, s19, v0  }
0x39: {  	v2 =	vsel vm1, v6, v2;
	s19 =	sadd.s32 $0x3, s14;
	vm0 =	vgt.f32 v4, v3  }
0x3a: {  	vm1 =	vgt.f32 v4, v2;
	v3 =	vsel vm0, v4, v3;
	v1 =	vsel vm0, s19, v1;
	v6 =	vld [tilespmem:s17+$0x80]  }
0x3b: {  	v3 =	vsel vm1, v2, v3;
	v1 =	vsel vm1, v0, v1;
	v0 =	vsel vm1, s19, v0  }
0x3c: {  	v4 =	vsel vm1, v4, v2;
	s19 =	sadd.s32 $0x4, s14;
	vm0 =	vgt.f32 v5, v3  }
0x3d: {  	vm1 =	vgt.f32 v5, v4;
	v3 =	vsel vm0, v5, v3;
	v1 =	vsel vm0, s19, v1;
	v2 =	vld [tilespmem:s17+$0x100]  }
0x3e: {  	v3 =	vsel vm1, v4, v3;
	v1 =	vsel vm1, v0, v1;
	v0 =	vsel vm1, s19, v0  }
.Ltmp0:
0x3f: {  	v5 =	vsel vm1, v5, v4;
	s19 =	sadd.s32 $0x5, s14;
	vm0 =	vgt.f32 v6, v3;
	(pc) =	sbr.rel @p0 .LBB2_3-.Ltmp0, $4  }
0x40: {  	vm1 =	vgt.f32 v6, v5;
	v3 =	vsel vm0, v6, v3;
	v1 =	vsel vm0, s19, v1;
	v4 =	vld [tilespmem:s17+$0x180]  }
0x41: {  	v7 =	vsel vm1, v5, v3;
	v1 =	vsel vm1, v0, v1;
	v0 =	vsel vm1, s19, v0  }
0x42: {  	s17 =	sadd.s32 $0x1000, s17;
	v5 =	vsel vm1, v6, v5;
	s19 =	sadd.s32 $0x6, s14;
	vm1 =	vgt.f32 v2, v7  }
0x43: {  	s18 =	sadd.s32 $0x8, s18;
	vm0 =	vgt.f32 v2, v5;
	v3 =	vld [tilespmem:s17+$0xFFFFFE00];
	v6 =	vsel vm1, v2, v7;
	v1 =	vsel vm1, s19, v1  }
0x44: {  	v6 =	vsel vm0, v5, v6  }
0x45: {  	v2 =	vsel vm0, v2, v5;
	vm1 =	vgt.f32 v4, v6  }
0x46: {  	v45 =	vld [tilespmem:s17+$0xFFFFFE80];
	vm2 =	vgt.f32 v4, v2;
	v6 =	vsel vm1, v4, v6  }
0x47: {  	v6 =	vsel vm2, v2, v6  }
0x48: {  	v46 =	vimm.s32 $0x0;
	v2 =	vsel vm2, v4, v2;
	vm14 =	vgt.f32 v3, v6  }
0x49: {  	v48 =	vld [tilespmem:s17+$0xFFFFFF00];
	vm3 =	vgt.f32 v3, v2;
	v4 =	vsel vm14, $0xFFFFFFFF, v46;
	v47 =	vsel vm14, v3, v6  }
0x4a: {  	[tilespmem:$0x1FFE0] =	vst v4;
	v4 =	vsel vm3, v2, v47  }
0x4b: {  	v49 =	vimm.s32 $0x0;
	v2 =	vsel vm3, v3, v2;
	vm15 =	vgt.f32 v45, v4  }
0x4c: {  	v51 =	vld [tilespmem:s17+$0xFFFFFF80];
	vm4 =	vgt.f32 v45, v2;
	v3 =	vsel vm15, $0xFFFFFFFF, v49;
	v50 =	vsel vm15, v45, v4  }
0x4d: {  	[tilespmem:$0x1FFF0] =	vst v3;
	v3 =	vsel vm4, v2, v50  }
0x4e: {  	v2 =	vsel vm4, v45, v2;
	vm9 =	vgt.f32 v48, v3  }
0x4f: {  	v52 =	vld [tilespmem:s17+$0x0];
	vm6 =	vgt.f32 v48, v2;
	v3 =	vsel vm9, v48, v3  }
0x50: {  	v3 =	vsel vm6, v2, v3  }
0x51: {  	v2 =	vsel vm6, v48, v2;
	vm11 =	vgt.f32 v51, v3  }
0x52: {  	v53 =	vld [tilespmem:s17+$0x80];
	vm7 =	vgt.f32 v51, v2;
	v3 =	vsel vm11, v51, v3  }
0x53: {  	v3 =	vsel vm7, v2, v3  }
0x54: {  	v2 =	vsel vm7, v51, v2;
	vm12 =	vgt.f32 v52, v3  }
0x55: {  	v54 =	vld [tilespmem:s17+$0x100];
	vm10 =	vgt.f32 v52, v2;
	v3 =	vsel vm12, v52, v3  }
0x56: {  	v3 =	vsel vm10, v2, v3  }
0x57: {  	v2 =	vsel vm10, v52, v2;
	vm15 =	vgt.f32 v53, v3  }
0x58: {  	v55 =	vld [tilespmem:s17+$0x180];
	vm13 =	vgt.f32 v53, v2;
	v3 =	vsel vm15, v53, v3  }
0x59: {  	v3 =	vsel vm13, v2, v3  }
0x5a: {  	v44 =	vimm.s32 $0x0;
	v2 =	vsel vm13, v53, v2;
	vm5 =	vgt.f32 v54, v3  }
0x5b: {  	v5 =	vsel vm1, $0xFFFFFFFF, v44;
	vm1 =	vgt.f32 v54, v2;
	v3 =	vsel vm5, v54, v3  }
0x5c: {  	v3 =	vsel vm1, v2, v3  }
0x5d: {  	v2 =	vsel vm1, v54, v2;
	vm8 =	vgt.f32 v55, v3  }
0x5e: {  	vm14 =	vgt.f32 v55, v2;
	v3 =	vsel vm8, v55, v3  }
0x5f: {  	v3 =	vsel vm14, v2, v3;
	v2 =	vsel vm14, v55, v2  }
0x60: {  	v2 =	vsub.f32 v3, v2  }
0x61: {  	[tilespmem:$0x1FFD0] =	vst v5  }
0x62: {  	v57 =	vld [tilespmem:$0x1FFD0];
	v2 =	vmul.f32 $1.442695020e+00, v2;
	_ =	sdelay $0x1  }
0x63: {  	v58 =	vld [tilespmem:$0x1FFE0];
	(erf) = vpow2.f32 v2;
	_ =	sdelay $0x1  }
0x64: {  	v59 =	vld [tilespmem:$0x1FFF0]  }
0x65: {  	v1 =	vsel vm0, v0, v1;
	s14 =	sadd.s32 $0x7, s14;
	v56 =	vsel vm0, s19, v0;
	vm0 =	vnez.u8 v57  }
0x66: {  	v1 =	vsel vm0, s14, v1  }
0x67: {  	v1 =	vsel vm2, v56, v1;
	vm0 =	vnez.u8 v58  }
0x68: {  	v0 =	vsel vm2, s14, v56;
	v1 =	vsel vm0, s16, v1  }
0x69: {  	s23 =	sadd.s32 $0x1, s16;
	v1 =	vsel vm3, v0, v1;
	vm0 =	vnez.u8 v59  }
0x6a: {  	v0 =	vsel vm3, s16, v0;
	v1 =	vsel vm0, s23, v1  }
0x6b: {  	s24 =	sadd.s32 $0x2, s16;
	v1 =	vsel vm4, v0, v1;
	v60 =	vpop (erf)  }
0x6c: {  	v0 =	vsel vm4, s23, v0;
	v1 =	vsel vm9, s24, v1;
	v2 =	vadd.f32 $1.000000000e+00, v60  }
0x6d: {  	s25 =	sadd.s32 $0x3, s16;
	v1 =	vsel vm6, v0, v1  }
0x6e: {  	v0 =	vsel vm6, s24, v0;
	v1 =	vsel vm11, s25, v1;
	(erf) = vrcp.f32 v2  }
0x6f: {  	s26 =	sadd.s32 $0x4, s16;
	v1 =	vsel vm7, v0, v1  }
0x70: {  	v0 =	vsel vm7, s25, v0;
	v1 =	vsel vm12, s26, v1  }
0x71: {  	s28 =	sadd.s32 $0x5, s16;
	v1 =	vsel vm10, v0, v1  }
0x72: {  	v0 =	vsel vm10, s26, v0;
	v1 =	vsel vm15, s28, v1  }
0x73: {  	s29 =	sadd.s32 $0x6, s16;
	v1 =	vsel vm13, v0, v1  }
0x74: {  	s30 =	sshll.u32 s13, $0x5;
	s13 =	sadd.s32 $0x1, s13;
	v0 =	vsel vm13, s28, v0;
	v1 =	vsel vm5, s29, v1  }
0x75: {  	s31 =	sadd.s32 $0x7, s16;
	p0 =	sne.s32 s13, $0x20;
	s14 =	sand.u32 $0x300, s30;
	v1 =	vsel vm1, v0, v1;
	v0 =	vsel vm1, s29, v0  }
.Ltmp1:
0x76: {  	s14 =	sor.u32 s15, s14;
	v1 =	vsel vm8, s31, v1;
	v61 =	vsel vm14, s31, v0;
	(pc) =	sbr.rel @p0 .LBB2_2-.Ltmp1, $4  }
0x77: {  	v0 =	vsel vm14, v0, v1;
	[tilespmem:s14+$0x8000] =	vst v61;
	v62 =	vpop (erf)  }
0x78: {  	[tilespmem:s14+$0x8080] =	vst v0;
	v63 =	vsub.f32 $1.000000000e+00, v62  }
0x79: {  	[tilespmem:s14+$0x8400] =	vst v62  }
0x7a: {  	s12 =	sadd.s32 $0x80, s12;
	s11 =	sadd.s32 $0x1, s11;
	[tilespmem:s14+$0x8480] =	vst v63  }
0x7b: {  	[hbm4b:s4+s2] =	stream.linear.scatter [tilespmem:s8], [sflag:$0x1], $0x400, $0x38;
	[tilespmem:$0x8800] =	vst v63  }
0x7c: {  	s10 =	sadd.s32 $0x1, s10;
	_ =	swait.ge [sflag:s7], $0x400  }
0x7d: {  	p0 =	sne.s32 s10, s6;
	[sflag:s7] =	ssyncset.done $0x0  }
.Ltmp2:
0x7e: {  	[sflag:s7] =	ssyncadd.s32 $0xFFFFFC00;
	(pc) =	sbr.rel @p0 .LBB2_1-.Ltmp2, $4  }
0x7f: {  	[hbm4b:s5+s2] =	stream.linear.scatter [tilespmem:s9], [sflag:$0x1], $0x400, $0x38;
	[tilespmem:$0x8800] =	vst v63  }
0x80: {  	_ =	swait.ge [sflag:s7], $0x400  }
0x81: {  	[sflag:s7] =	ssyncset.done $0x0  }
0x82: {  	[sflag:s7] =	ssyncadd.s32 $0xFFFFFC00  }
0x83: {  	_ =	sfence.sel $0x180000  }
0x84: {  	[bflag:$0x0] =	sbarrier.arrive $0xFFFF  }
0x85: {  	p0 =	sne.s32 s1, $0x0;
	_ =	strace $0x90000047  }
0x86: {  	s0 =	sadd.s32 @!p0 $0x100000, s0;
	[bflag:$0x2] =	sbarrier.arrive $0xFFFF  }
0x87: {  	[sflag:s0] =	ssyncadd.tile.s32 @!p0 $0x1;
	_ =	shalt  }
.Lfunc_end2:
_tile_overlayer_lowered:
.L_overlay_start_2:
0x88: {  	(tag) =	ssettag $0x2  }
0x89: {  	s0 =	rddreg [dreg:$0x0];
	s2 =	stileid.u32  }
0x8a: {  	s1 =	rddreg [dreg:$0x1];
	p0 =	sne.s32 s2, $0x0  }
0x8b: {  	s3 =	rddreg [dreg:$0x2];
	[bflag:$0x3] =	sbarrier.arrive $0xFFFF;
	s2 =	simm.s32 @!p0 $0x1C01  }
0x8c: {  	[timem:s3], [sflag:s2] =	dma.local @!p0 [hbm:s0], s1  }
0x8d: {  	s0 =	simm.s32 @!p0 $0x1  }
0x8e: {  	_ =	swait.ge @!p0 [sflag:s0], s1  }
0x8f: {  	s1 =	ssub.s32 @!p0 $0x0, s1;
	[sflag:s0] =	ssyncset.done @!p0 $0x0  }
0x90: {  	[sflag:s0] =	ssyncadd.s32 @!p0 s1  }
0x91: {  	[bflag:$0x3] =	sbarrier.arrive $0xFFFF  }
0x92: {  	_ =	shalt  }

</sc_bundles>
